<compile_context>
chip_gen: v7x
topology: tpu7x:2x2x1
jax: 0.10.2.dev20260603
libtpu: 0.0.44.dev20260713+nightly
codegen_flags: <defaults>
</compile_context>

<pallas_src>
import functools

import jax
import jax.numpy as jnp
from jax import lax
from jax.experimental import pallas as pl
from jax.experimental.pallas import tpu as pltpu
from jax.experimental.pallas import tpu_sc as plsc

_BB = 1024


def _sc_gather(table, idx):
    b, d = idx.shape[0], table.shape[1]
    info = plsc.get_sparse_core_info()
    ncores = info.num_cores
    nwork = ncores * info.num_subcores
    bpw = b // nwork
    mesh = plsc.VectorSubcoreMesh(core_axis_name="c", subcore_axis_name="s")

    @functools.partial(
        pl.kernel,
        mesh=mesh,
        out_type=jax.ShapeDtypeStruct((b, d), table.dtype),
        scratch_types=[
            pltpu.VMEM((bpw,), jnp.int32),
            pltpu.VMEM((bpw, d), table.dtype),
            pltpu.SemaphoreType.DMA,
        ],
    )
    def gather_kernel(table_hbm, idx_hbm, out_hbm, idx_v, rows_v, sem):
        wid = lax.axis_index("s") * ncores + lax.axis_index("c")
        base = wid * bpw
        pltpu.sync_copy(idx_hbm.at[pl.ds(base, bpw)], idx_v)
        pltpu.async_copy(table_hbm.at[idx_v], rows_v, sem).wait()
        pltpu.sync_copy(rows_v, out_hbm.at[pl.ds(base, bpw)])

    return gather_kernel(table, idx)


def _body(art, mom, u, age, gen, wf, bf, wm, bm, ae, ge, wout, bo, out,
          wfa_s, wmm_s, wu_s, tage_s, tgen_s, btot_s):
    h = wf.shape[1]

    @pl.when(pl.program_id(0) == 0)
    def _fold():
        w = wout[...]
        wag = w[h:2 * h, :]
        wg = w[2 * h:3 * h, :]
        wa = w[3 * h:4 * h, :]
        wm2 = w[4 * h:5 * h, :]
        wfa_s[...] = jnp.dot(
            wf[...], wa, preferred_element_type=jnp.float32
        ).astype(jnp.bfloat16)
        wmm_s[...] = jnp.dot(
            wm[...], wm2, preferred_element_type=jnp.float32
        ).astype(jnp.bfloat16)
        wu_s[...] = w[0:h, :].astype(jnp.bfloat16)
        tage_s[...] = jnp.dot(ae[...], wag, preferred_element_type=jnp.float32)
        tgen_s[...] = jnp.dot(ge[...], wg, preferred_element_type=jnp.float32)
        btot_s[...] = (bo[...]
                       + jnp.dot(bf[...], wa, preferred_element_type=jnp.float32)
                       + jnp.dot(bm[...], wm2, preferred_element_type=jnp.float32))

    acc = jnp.dot(art[...].astype(jnp.bfloat16), wfa_s[...],
                  preferred_element_type=jnp.float32)
    acc = acc + jnp.dot(mom[...].astype(jnp.bfloat16), wmm_s[...],
                        preferred_element_type=jnp.float32)
    acc = acc + jnp.dot(u[...].astype(jnp.bfloat16), wu_s[...],
                        preferred_element_type=jnp.float32)
    na, ng = ae.shape[0], ge.shape[0]
    oh_age = (age[...] == lax.broadcasted_iota(jnp.int32, (_BB, na), 1)
              ).astype(jnp.float32)
    acc = acc + jnp.dot(oh_age, tage_s[...], preferred_element_type=jnp.float32)
    oh_gen = (gen[...] == lax.broadcasted_iota(jnp.int32, (_BB, ng), 1)
              ).astype(jnp.float32)
    acc = acc + jnp.dot(oh_gen, tgen_s[...], preferred_element_type=jnp.float32)
    out[...] = acc + btot_s[...]


def kernel(articles, moments, uid, age, gender, W_feat, b_feat, W_mom, b_mom,
           user_emb, age_emb, gender_emb, W_out, b_out):
    b, a_dim = articles.shape
    m_dim = moments.shape[1]
    h = W_feat.shape[1]
    n = W_out.shape[1]

    u = _sc_gather(user_emb, uid.astype(jnp.int32))

    age2 = age.astype(jnp.int32).reshape(b, 1)
    gen2 = gender.astype(jnp.int32).reshape(b, 1)
    na, ng = age_emb.shape[0], gender_emb.shape[0]

    bcast = lambda i: (0, 0)
    row = lambda i: (i, 0)
    out = pl.pallas_call(
        _body,
        grid=(b // _BB,),
        in_specs=[
            pl.BlockSpec((_BB, a_dim), row),
            pl.BlockSpec((_BB, m_dim), row),
            pl.BlockSpec((_BB, h), row),
            pl.BlockSpec((_BB, 1), row),
            pl.BlockSpec((_BB, 1), row),
            pl.BlockSpec((a_dim, h), bcast),
            pl.BlockSpec((1, h), bcast),
            pl.BlockSpec((m_dim, h), bcast),
            pl.BlockSpec((1, h), bcast),
            pl.BlockSpec((na, h), bcast),
            pl.BlockSpec((ng, h), bcast),
            pl.BlockSpec((5 * h, n), bcast),
            pl.BlockSpec((1, n), bcast),
        ],
        out_specs=pl.BlockSpec((_BB, n), row),
        out_shape=jax.ShapeDtypeStruct((b, n), jnp.float32),
        scratch_shapes=[
            pltpu.VMEM((a_dim, n), jnp.bfloat16),
            pltpu.VMEM((m_dim, n), jnp.bfloat16),
            pltpu.VMEM((h, n), jnp.bfloat16),
            pltpu.VMEM((na, n), jnp.float32),
            pltpu.VMEM((ng, n), jnp.float32),
            pltpu.VMEM((1, n), jnp.float32),
        ],
        compiler_params=pltpu.CompilerParams(
            dimension_semantics=("arbitrary",)),
    )(articles, moments, u, age2, gen2, W_feat, b_feat.reshape(1, h),
      W_mom, b_mom.reshape(1, h), age_emb, gender_emb, W_out, b_out.reshape(1, n))
    return out

# --- scband reference (transcript-rebuilt; emitter-appended) ---
"""Pipeline reference for scband-user-encoder-45002667327504 (READ-ONLY COPY).

The authoritative reference and input builder live on the scoring server;
editing this copy changes nothing except your own understanding.
"""

import jax, jax.numpy as jnp
import numpy as np

B = 4096
A = 512
M = 128
H = 256
V = 190662

def setup_inputs(seed: int = 0) -> dict:
    key = jax.random.key(seed)
    ks = jax.random.split(key, 12)
    articles = jax.random.normal(ks[0], (B, A), dtype=jnp.float32)
    moments = jax.random.normal(ks[1], (B, M), dtype=jnp.float32)
    uid = jax.random.randint(ks[2], (B,), 0, V)
    age = jax.random.randint(ks[3], (B,), 0, 6)
    gender = jax.random.randint(ks[4], (B,), 0, 2)
    W_feat = jax.random.normal(ks[5], (A, H), dtype=jnp.float32) / np.sqrt(A)
    b_feat = jnp.zeros((H,), dtype=jnp.float32)
    W_mom = jax.random.normal(ks[6], (M, H), dtype=jnp.float32) / np.sqrt(M)
    b_mom = jnp.zeros((H,), dtype=jnp.float32)
    user_emb = jax.random.normal(ks[7], (V, H), dtype=jnp.float32) * 0.02
    age_emb = jax.random.normal(ks[8], (6, H), dtype=jnp.float32) * 0.02
    gender_emb = jax.random.normal(ks[9], (2, H), dtype=jnp.float32) * 0.02
    W_out = jax.random.normal(ks[10], (5 * H, 2 * H), dtype=jnp.float32) / np.sqrt(5 * H)
    b_out = jnp.zeros((2 * H,), dtype=jnp.float32)
    return {"articles": articles, "moments": moments, "uid": uid, "age": age, "gender": gender,
            "W_feat": W_feat, "b_feat": b_feat, "W_mom": W_mom, "b_mom": b_mom,
            "user_emb": user_emb, "age_emb": age_emb, "gender_emb": gender_emb,
            "W_out": W_out, "b_out": b_out}

def reference(articles, moments, uid, age, gender, W_feat, b_feat, W_mom, b_mom, user_emb, age_emb, gender_emb, W_out, b_out):
    a = articles @ W_feat + b_feat
    m = moments @ W_mom + b_mom
    u = jnp.take(user_emb, uid, axis=0)
    ag = jnp.take(age_emb, age, axis=0)
    g = jnp.take(gender_emb, gender, axis=0)
    cat = jnp.concatenate([u, ag, g, a, m], axis=1)
    return cat @ W_out + b_out

if __name__ == "__main__":
    import jax
    _d = setup_inputs()
    print(jax.jit(kernel)(*tuple(_d.values())))

</pallas_src>

<mosaic_0001>
#map = affine_map<(d0, d1) -> (0, 0)>
#map1 = affine_map<(d0, d1) -> (0)>
module attributes {stable_mosaic.version = 14 : i64} {
  func.func @gather_kernel(%arg0: i32, %arg1: i32, %arg2: memref<190662x256xf32, #tpu.memory_space<hbm>>, %arg3: memref<4096xi32, #tpu.memory_space<hbm>>, %arg4: memref<4096x256xf32, #tpu.memory_space<hbm>>, %arg5: memref<128xi32, #tpu.memory_space<vmem>>, %arg6: memref<128x256xf32, #tpu.memory_space<vmem>>, %arg7: memref<!tpu.dma_semaphore, #tpu.memory_space<semaphore_mem>>) attributes {dimension_semantics = [#tpu.dimension_semantics<core_parallel>, #tpu.dimension_semantics<subcore_parallel>], iteration_bounds = array<i64: 2, 16>, scalar_prefetch = 0 : i64, scratch_operands = 3 : i64, tpu.core_type = #tpu.core_type<sc_vector_subcore>, window_params = [{transform_indices = #map}, {transform_indices = #map1}, {transform_indices = #map}]} {
    %mul3A = arith.constant 2 : i32
    %mul3A_0 = arith.muli %arg1, %mul3A : i32
    %add3A = arith.addi %mul3A_0, %arg0 : i32
    %mul3A_1 = arith.constant 128 : i32
    %mul3A_2 = arith.muli %add3A, %mul3A_1 : i32
    "tpu.region"() ({
      %run_scoped3A = tpu.sem_alloc : memref<!tpu.dma_semaphore, #tpu.memory_space<semaphore_mem>>
      %dma_start3A_7 = tpu.memref_slice %arg3[%mul3A_2] : memref<4096xi32, #tpu.memory_space<hbm>> -> memref<128xi32, #tpu.memory_space<hbm>>
      %dma_start3A_8 = tpu.memref_slice %arg3[%mul3A_2] : memref<4096xi32, #tpu.memory_space<hbm>> -> memref<128xi32, #tpu.memory_space<hbm>>
      tpu.enqueue_dma source(%dma_start3A_8 : memref<128xi32, #tpu.memory_space<hbm>>) target(%arg5 : memref<128xi32, #tpu.memory_space<vmem>>) target_semaphore(%run_scoped3A : memref<!tpu.dma_semaphore, #tpu.memory_space<semaphore_mem>>)
      %dma_wait3A_9 = tpu.memref_slice %arg3[%mul3A_2] : memref<4096xi32, #tpu.memory_space<hbm>> -> memref<128xi32, #tpu.memory_space<hbm>>
      %dma_wait3A_10 = tpu.memref_slice %arg3[%mul3A_2] : memref<4096xi32, #tpu.memory_space<hbm>> -> memref<128xi32, #tpu.memory_space<hbm>>
      tpu.wait_dma2 semaphore(%run_scoped3A : memref<!tpu.dma_semaphore, #tpu.memory_space<semaphore_mem>>) src(%dma_wait3A_10 : memref<128xi32, #tpu.memory_space<hbm>>) dst(%arg5 : memref<128xi32, #tpu.memory_space<vmem>>)
      tpu.yield
    }) : () -> ()
    %dma_start3A = arith.constant 0 : i32
    %dma_start3A_3 = arith.constant 0 : i32
    %dma_start3A_4 = tpu.memref_slice %arg2[%dma_start3A, %dma_start3A_3] : memref<190662x256xf32, #tpu.memory_space<hbm>> -> memref<190662x256xf32, #tpu.memory_space<hbm>>
    tpu.enqueue_indirect_dma source(%dma_start3A_4 : memref<190662x256xf32, #tpu.memory_space<hbm>>) target(%arg6 : memref<128x256xf32, #tpu.memory_space<vmem>>) offsets(%arg5 : memref<128xi32, #tpu.memory_space<vmem>>) semaphore(%arg7 : memref<!tpu.dma_semaphore, #tpu.memory_space<semaphore_mem>>)
    %dma_wait3A = arith.constant 0 : i32
    %dma_wait3A_5 = arith.constant 0 : i32
    %dma_wait3A_6 = tpu.memref_slice %arg2[%dma_wait3A, %dma_wait3A_5] : memref<190662x256xf32, #tpu.memory_space<hbm>> -> memref<190662x256xf32, #tpu.memory_space<hbm>>
    tpu.wait_indirect_dma semaphore(%arg7 : memref<!tpu.dma_semaphore, #tpu.memory_space<semaphore_mem>>) src(%dma_wait3A_6 : memref<190662x256xf32, #tpu.memory_space<hbm>>) dst(%arg6 : memref<128x256xf32, #tpu.memory_space<vmem>>)
    "tpu.region"() ({
      %run_scoped3A = tpu.sem_alloc : memref<!tpu.dma_semaphore, #tpu.memory_space<semaphore_mem>>
      %dma_start3A_7 = arith.constant 0 : i32
      %dma_start3A_8 = tpu.memref_slice %arg4[%mul3A_2, %dma_start3A_7] : memref<4096x256xf32, #tpu.memory_space<hbm>> -> memref<128x256xf32, #tpu.memory_space<hbm>>
      %dma_start3A_9 = arith.constant 0 : i32
      %dma_start3A_10 = tpu.memref_slice %arg4[%mul3A_2, %dma_start3A_9] : memref<4096x256xf32, #tpu.memory_space<hbm>> -> memref<128x256xf32, #tpu.memory_space<hbm>>
      tpu.enqueue_dma source(%arg6 : memref<128x256xf32, #tpu.memory_space<vmem>>) target(%dma_start3A_10 : memref<128x256xf32, #tpu.memory_space<hbm>>) target_semaphore(%run_scoped3A : memref<!tpu.dma_semaphore, #tpu.memory_space<semaphore_mem>>)
      %dma_wait3A_11 = arith.constant 0 : i32
      %dma_wait3A_12 = tpu.memref_slice %arg4[%mul3A_2, %dma_wait3A_11] : memref<4096x256xf32, #tpu.memory_space<hbm>> -> memref<128x256xf32, #tpu.memory_space<hbm>>
      %dma_wait3A_13 = arith.constant 0 : i32
      %dma_wait3A_14 = tpu.memref_slice %arg4[%mul3A_2, %dma_wait3A_13] : memref<4096x256xf32, #tpu.memory_space<hbm>> -> memref<128x256xf32, #tpu.memory_space<hbm>>
      tpu.wait_dma2 semaphore(%run_scoped3A : memref<!tpu.dma_semaphore, #tpu.memory_space<semaphore_mem>>) src(%arg6 : memref<128x256xf32, #tpu.memory_space<vmem>>) dst(%dma_wait3A_14 : memref<128x256xf32, #tpu.memory_space<hbm>>)
      tpu.yield
    }) : () -> ()
    return
  }
}

module attributes {stable_mosaic.version = 14 : i64} {
  func.func @_body(%arg0: i32, %arg1: memref<1024x512xf32, #tpu.memory_space<vmem>>, %arg2: memref<1024x128xf32, #tpu.memory_space<vmem>>, %arg3: memref<1024x256xf32, #tpu.memory_space<vmem>>, %arg4: memref<1024x1xi32, #tpu.memory_space<vmem>>, %arg5: memref<1024x1xi32, #tpu.memory_space<vmem>>, %arg6: memref<512x256xf32, #tpu.memory_space<vmem>>, %arg7: memref<1x256xf32, #tpu.memory_space<vmem>>, %arg8: memref<128x256xf32, #tpu.memory_space<vmem>>, %arg9: memref<1x256xf32, #tpu.memory_space<vmem>>, %arg10: memref<6x256xf32, #tpu.memory_space<vmem>>, %arg11: memref<2x256xf32, #tpu.memory_space<vmem>>, %arg12: memref<1280x512xf32, #tpu.memory_space<vmem>>, %arg13: memref<1x512xf32, #tpu.memory_space<vmem>>, %arg14: memref<1024x512xf32, #tpu.memory_space<vmem>>, %arg15: memref<512x512xbf16, #tpu.memory_space<vmem>>, %arg16: memref<128x512xbf16, #tpu.memory_space<vmem>>, %arg17: memref<256x512xbf16, #tpu.memory_space<vmem>>, %arg18: memref<6x512xf32, #tpu.memory_space<vmem>>, %arg19: memref<2x512xf32, #tpu.memory_space<vmem>>, %arg20: memref<1x512xf32, #tpu.memory_space<vmem>>) attributes {dimension_semantics = [#tpu.dimension_semantics<arbitrary>], iteration_bounds = array<i64: 4>, scalar_prefetch = 0 : i64, scratch_operands = 6 : i64, tpu.core_type = #tpu.core_type<tc>, window_params = [{transform_indices = @transform_0, window_bounds = array<i64: 1024, 512>}, {transform_indices = @transform_1, window_bounds = array<i64: 1024, 128>}, {transform_indices = @transform_2, window_bounds = array<i64: 1024, 256>}, {transform_indices = @transform_3, window_bounds = array<i64: 1024, 1>}, {transform_indices = @transform_4, window_bounds = array<i64: 1024, 1>}, {pipeline_mode = #tpu.pipeline_mode<synchronous>, transform_indices = @transform_5, window_bounds = array<i64: 512, 256>}, {pipeline_mode = #tpu.pipeline_mode<synchronous>, transform_indices = @transform_6, window_bounds = array<i64: 1, 256>}, {pipeline_mode = #tpu.pipeline_mode<synchronous>, transform_indices = @transform_7, window_bounds = array<i64: 128, 256>}, {pipeline_mode = #tpu.pipeline_mode<synchronous>, transform_indices = @transform_8, window_bounds = array<i64: 1, 256>}, {pipeline_mode = #tpu.pipeline_mode<synchronous>, transform_indices = @transform_9, window_bounds = array<i64: 6, 256>}, {pipeline_mode = #tpu.pipeline_mode<synchronous>, transform_indices = @transform_10, window_bounds = array<i64: 2, 256>}, {pipeline_mode = #tpu.pipeline_mode<synchronous>, transform_indices = @transform_11, window_bounds = array<i64: 1280, 512>}, {pipeline_mode = #tpu.pipeline_mode<synchronous>, transform_indices = @transform_12, window_bounds = array<i64: 1, 512>}, {transform_indices = @transform_13, window_bounds = array<i64: 1024, 512>}]} {
    %eq3A = arith.constant 0 : i32
    %eq3A_0 = arith.cmpi eq, %arg0, %eq3A : i32
    %convert_element_type3A = arith.extui %eq3A_0 : i1 to i32
    %cond3A = arith.constant 0 : i32
    %cond3A_1 = arith.cmpi ne, %convert_element_type3A, %cond3A : i32
    scf.if %cond3A_1 {
      %get3A_62 = arith.constant 0 : index
      %get3A_63 = arith.constant 0 : index
      %get3A_64 = vector.load %arg12[%get3A_62, %get3A_63] : memref<1280x512xf32, #tpu.memory_space<vmem>>, vector<1280x512xf32>
      %slice3A = vector.extract_strided_slice %get3A_64 {offsets = [256, 0], sizes = [256, 512], strides = [1, 1]} : vector<1280x512xf32> to vector<256x512xf32>
      %slice3A_65 = vector.extract_strided_slice %get3A_64 {offsets = [512, 0], sizes = [256, 512], strides = [1, 1]} : vector<1280x512xf32> to vector<256x512xf32>
      %slice3A_66 = vector.extract_strided_slice %get3A_64 {offsets = [768, 0], sizes = [256, 512], strides = [1, 1]} : vector<1280x512xf32> to vector<256x512xf32>
      %slice3A_67 = vector.extract_strided_slice %get3A_64 {offsets = [1024, 0], sizes = [256, 512], strides = [1, 1]} : vector<1280x512xf32> to vector<256x512xf32>
      %get3A_68 = arith.constant 0 : index
      %get3A_69 = arith.constant 0 : index
      %get3A_70 = vector.load %arg6[%get3A_68, %get3A_69] : memref<512x256xf32, #tpu.memory_space<vmem>>, vector<512x256xf32>
      %dot_general3A_71 = arith.constant dense<0.000000e+00> : vector<512x512xf32>
      %dot_general3A_72 = tpu.matmul %get3A_70, %slice3A_66, %dot_general3A_71 {dimension_numbers = #tpu.dot_dimension_numbers<[1], [0], [0], [1], [0, 0, 1, 1], [], []>, transpose_lhs_hint = false} : vector<512x256xf32>, vector<256x512xf32>, vector<512x512xf32> -> vector<512x512xf32>
      %convert_element_type3A_73 = arith.truncf %dot_general3A_72 : vector<512x512xf32> to vector<512x512xbf16>
      %swap3A_74 = arith.constant 0 : index
      %swap3A_75 = arith.constant 0 : index
      %swap3A_76 = vector.load %arg15[%swap3A_74, %swap3A_75] : memref<512x512xbf16, #tpu.memory_space<vmem>>, vector<512x512xbf16>
      tpu.vector_store %arg15[%swap3A_74, %swap3A_75], %convert_element_type3A_73 {strides = array<i32>} : memref<512x512xbf16, #tpu.memory_space<vmem>>, vector<512x512xbf16>,
      %get3A_77 = arith.constant 0 : index
      %get3A_78 = arith.constant 0 : index
      %get3A_79 = vector.load %arg8[%get3A_77, %get3A_78] : memref<128x256xf32, #tpu.memory_space<vmem>>, vector<128x256xf32>
      %dot_general3A_80 = arith.constant dense<0.000000e+00> : vector<128x512xf32>
      %dot_general3A_81 = tpu.matmul %get3A_79, %slice3A_67, %dot_general3A_80 {dimension_numbers = #tpu.dot_dimension_numbers<[1], [0], [0], [1], [0, 0, 1, 1], [], []>, transpose_lhs_hint = false} : vector<128x256xf32>, vector<256x512xf32>, vector<128x512xf32> -> vector<128x512xf32>
      %convert_element_type3A_82 = arith.truncf %dot_general3A_81 : vector<128x512xf32> to vector<128x512xbf16>
      %swap3A_83 = arith.constant 0 : index
      %swap3A_84 = arith.constant 0 : index
      %swap3A_85 = vector.load %arg16[%swap3A_83, %swap3A_84] : memref<128x512xbf16, #tpu.memory_space<vmem>>, vector<128x512xbf16>
      tpu.vector_store %arg16[%swap3A_83, %swap3A_84], %convert_element_type3A_82 {strides = array<i32>} : memref<128x512xbf16, #tpu.memory_space<vmem>>, vector<128x512xbf16>,
      %slice3A_86 = vector.extract_strided_slice %get3A_64 {offsets = [0, 0], sizes = [256, 512], strides = [1, 1]} : vector<1280x512xf32> to vector<256x512xf32>
      %convert_element_type3A_87 = arith.truncf %slice3A_86 : vector<256x512xf32> to vector<256x512xbf16>
      %swap3A_88 = arith.constant 0 : index
      %swap3A_89 = arith.constant 0 : index
      %swap3A_90 = vector.load %arg17[%swap3A_88, %swap3A_89] : memref<256x512xbf16, #tpu.memory_space<vmem>>, vector<256x512xbf16>
      tpu.vector_store %arg17[%swap3A_88, %swap3A_89], %convert_element_type3A_87 {strides = array<i32>} : memref<256x512xbf16, #tpu.memory_space<vmem>>, vector<256x512xbf16>,
      %get3A_91 = arith.constant 0 : index
      %get3A_92 = arith.constant 0 : index
      %get3A_93 = vector.load %arg10[%get3A_91, %get3A_92] : memref<6x256xf32, #tpu.memory_space<vmem>>, vector<6x256xf32>
      %dot_general3A_94 = arith.constant dense<0.000000e+00> : vector<6x512xf32>
      %dot_general3A_95 = tpu.matmul %get3A_93, %slice3A, %dot_general3A_94 {dimension_numbers = #tpu.dot_dimension_numbers<[1], [0], [0], [1], [0, 0, 1, 1], [], []>, transpose_lhs_hint = false} : vector<6x256xf32>, vector<256x512xf32>, vector<6x512xf32> -> vector<6x512xf32>
      %swap3A_96 = arith.constant 0 : index
      %swap3A_97 = arith.constant 0 : index
      %swap3A_98 = vector.load %arg18[%swap3A_96, %swap3A_97] : memref<6x512xf32, #tpu.memory_space<vmem>>, vector<6x512xf32>
      tpu.vector_store %arg18[%swap3A_96, %swap3A_97], %dot_general3A_95 {strides = array<i32>} : memref<6x512xf32, #tpu.memory_space<vmem>>, vector<6x512xf32>,
      %get3A_99 = arith.constant 0 : index
      %get3A_100 = arith.constant 0 : index
      %get3A_101 = vector.load %arg11[%get3A_99, %get3A_100] : memref<2x256xf32, #tpu.memory_space<vmem>>, vector<2x256xf32>
      %dot_general3A_102 = arith.constant dense<0.000000e+00> : vector<2x512xf32>
      %dot_general3A_103 = tpu.matmul %get3A_101, %slice3A_65, %dot_general3A_102 {dimension_numbers = #tpu.dot_dimension_numbers<[1], [0], [0], [1], [0, 0, 1, 1], [], []>, transpose_lhs_hint = false} : vector<2x256xf32>, vector<256x512xf32>, vector<2x512xf32> -> vector<2x512xf32>
      %swap3A_104 = arith.constant 0 : index
      %swap3A_105 = arith.constant 0 : index
      %swap3A_106 = vector.load %arg19[%swap3A_104, %swap3A_105] : memref<2x512xf32, #tpu.memory_space<vmem>>, vector<2x512xf32>
      tpu.vector_store %arg19[%swap3A_104, %swap3A_105], %dot_general3A_103 {strides = array<i32>} : memref<2x512xf32, #tpu.memory_space<vmem>>, vector<2x512xf32>,
      %get3A_107 = arith.constant 0 : index
      %get3A_108 = arith.constant 0 : index
      %get3A_109 = vector.load %arg13[%get3A_107, %get3A_108] : memref<1x512xf32, #tpu.memory_space<vmem>>, vector<1x512xf32>
      %get3A_110 = arith.constant 0 : index
      %get3A_111 = arith.constant 0 : index
      %get3A_112 = vector.load %arg7[%get3A_110, %get3A_111] : memref<1x256xf32, #tpu.memory_space<vmem>>, vector<1x256xf32>
      %dot_general3A_113 = arith.constant dense<0.000000e+00> : vector<1x512xf32>
      %dot_general3A_114 = tpu.matmul %get3A_112, %slice3A_66, %dot_general3A_113 {dimension_numbers = #tpu.dot_dimension_numbers<[1], [0], [0], [1], [0, 0, 1, 1], [], []>, transpose_lhs_hint = false} : vector<1x256xf32>, vector<256x512xf32>, vector<1x512xf32> -> vector<1x512xf32>
      %add3A_115 = arith.addf %get3A_109, %dot_general3A_114 : vector<1x512xf32>
      %get3A_116 = arith.constant 0 : index
      %get3A_117 = arith.constant 0 : index
      %get3A_118 = vector.load %arg9[%get3A_116, %get3A_117] : memref<1x256xf32, #tpu.memory_space<vmem>>, vector<1x256xf32>
      %dot_general3A_119 = arith.constant dense<0.000000e+00> : vector<1x512xf32>
      %dot_general3A_120 = tpu.matmul %get3A_118, %slice3A_67, %dot_general3A_119 {dimension_numbers = #tpu.dot_dimension_numbers<[1], [0], [0], [1], [0, 0, 1, 1], [], []>, transpose_lhs_hint = false} : vector<1x256xf32>, vector<256x512xf32>, vector<1x512xf32> -> vector<1x512xf32>
      %add3A_121 = arith.addf %add3A_115, %dot_general3A_120 : vector<1x512xf32>
      %swap3A_122 = arith.constant 0 : index
      %swap3A_123 = arith.constant 0 : index
      %swap3A_124 = vector.load %arg20[%swap3A_122, %swap3A_123] : memref<1x512xf32, #tpu.memory_space<vmem>>, vector<1x512xf32>
      tpu.vector_store %arg20[%swap3A_122, %swap3A_123], %add3A_121 {strides = array<i32>} : memref<1x512xf32, #tpu.memory_space<vmem>>, vector<1x512xf32>,
    } else {
    }
    %get3A = arith.constant 0 : index
    %get3A_2 = arith.constant 0 : index
    %get3A_3 = vector.load %arg1[%get3A, %get3A_2] : memref<1024x512xf32, #tpu.memory_space<vmem>>, vector<1024x512xf32>
    %convert_element_type3A_4 = arith.truncf %get3A_3 : vector<1024x512xf32> to vector<1024x512xbf16>
    %get3A_5 = arith.constant 0 : index
    %get3A_6 = arith.constant 0 : index
    %get3A_7 = vector.load %arg15[%get3A_5, %get3A_6] : memref<512x512xbf16, #tpu.memory_space<vmem>>, vector<512x512xbf16>
    %dot_general3A = arith.constant dense<0.000000e+00> : vector<1024x512xf32>
    %dot_general3A_8 = tpu.matmul %convert_element_type3A_4, %get3A_7, %dot_general3A {dimension_numbers = #tpu.dot_dimension_numbers<[1], [0], [0], [1], [0, 0, 1, 1], [], []>, transpose_lhs_hint = false} : vector<1024x512xbf16>, vector<512x512xbf16>, vector<1024x512xf32> -> vector<1024x512xf32>
    %get3A_9 = arith.constant 0 : index
    %get3A_10 = arith.constant 0 : index
    %get3A_11 = vector.load %arg2[%get3A_9, %get3A_10] : memref<1024x128xf32, #tpu.memory_space<vmem>>, vector<1024x128xf32>
    %convert_element_type3A_12 = arith.truncf %get3A_11 : vector<1024x128xf32> to vector<1024x128xbf16>
    %get3A_13 = arith.constant 0 : index
    %get3A_14 = arith.constant 0 : index
    %get3A_15 = vector.load %arg16[%get3A_13, %get3A_14] : memref<128x512xbf16, #tpu.memory_space<vmem>>, vector<128x512xbf16>
    %dot_general3A_16 = arith.constant dense<0.000000e+00> : vector<1024x512xf32>
    %dot_general3A_17 = tpu.matmul %convert_element_type3A_12, %get3A_15, %dot_general3A_16 {dimension_numbers = #tpu.dot_dimension_numbers<[1], [0], [0], [1], [0, 0, 1, 1], [], []>, transpose_lhs_hint = false} : vector<1024x128xbf16>, vector<128x512xbf16>, vector<1024x512xf32> -> vector<1024x512xf32>
    %add3A = arith.addf %dot_general3A_8, %dot_general3A_17 : vector<1024x512xf32>
    %get3A_18 = arith.constant 0 : index
    %get3A_19 = arith.constant 0 : index
    %get3A_20 = vector.load %arg3[%get3A_18, %get3A_19] : memref<1024x256xf32, #tpu.memory_space<vmem>>, vector<1024x256xf32>
    %convert_element_type3A_21 = arith.truncf %get3A_20 : vector<1024x256xf32> to vector<1024x256xbf16>
    %get3A_22 = arith.constant 0 : index
    %get3A_23 = arith.constant 0 : index
    %get3A_24 = vector.load %arg17[%get3A_22, %get3A_23] : memref<256x512xbf16, #tpu.memory_space<vmem>>, vector<256x512xbf16>
    %dot_general3A_25 = arith.constant dense<0.000000e+00> : vector<1024x512xf32>
    %dot_general3A_26 = tpu.matmul %convert_element_type3A_21, %get3A_24, %dot_general3A_25 {dimension_numbers = #tpu.dot_dimension_numbers<[1], [0], [0], [1], [0, 0, 1, 1], [], []>, transpose_lhs_hint = false} : vector<1024x256xbf16>, vector<256x512xbf16>, vector<1024x512xf32> -> vector<1024x512xf32>
    %add3A_27 = arith.addf %add3A, %dot_general3A_26 : vector<1024x512xf32>
    %get3A_28 = arith.constant 0 : index
    %get3A_29 = arith.constant 0 : index
    %get3A_30 = vector.load %arg4[%get3A_28, %get3A_29] : memref<1024x1xi32, #tpu.memory_space<vmem>>, vector<1024x1xi32>
    %iota3A = tpu.iota {dimensions = array<i32: 1>} : vector<1024x6xi32>
    %eq3A_31 = vector.broadcast %get3A_30 : vector<1024x1xi32> to vector<1024x6xi32>
    %eq3A_32 = arith.cmpi eq, %eq3A_31, %iota3A : vector<1024x6xi32>
    %convert_element_type3A_33 = arith.extui %eq3A_32 : vector<1024x6xi1> to vector<1024x6xi32>
    %convert_element_type3A_34 = arith.sitofp %convert_element_type3A_33 : vector<1024x6xi32> to vector<1024x6xf32>
    %get3A_35 = arith.constant 0 : index
    %get3A_36 = arith.constant 0 : index
    %get3A_37 = vector.load %arg18[%get3A_35, %get3A_36] : memref<6x512xf32, #tpu.memory_space<vmem>>, vector<6x512xf32>
    %dot_general3A_38 = arith.constant dense<0.000000e+00> : vector<1024x512xf32>
    %dot_general3A_39 = tpu.matmul %convert_element_type3A_34, %get3A_37, %dot_general3A_38 {dimension_numbers = #tpu.dot_dimension_numbers<[1], [0], [0], [1], [0, 0, 1, 1], [], []>, transpose_lhs_hint = false} : vector<1024x6xf32>, vector<6x512xf32>, vector<1024x512xf32> -> vector<1024x512xf32>
    %add3A_40 = arith.addf %add3A_27, %dot_general3A_39 : vector<1024x512xf32>
    %get3A_41 = arith.constant 0 : index
    %get3A_42 = arith.constant 0 : index
    %get3A_43 = vector.load %arg5[%get3A_41, %get3A_42] : memref<1024x1xi32, #tpu.memory_space<vmem>>, vector<1024x1xi32>
    %iota3A_44 = tpu.iota {dimensions = array<i32: 1>} : vector<1024x2xi32>
    %eq3A_45 = vector.broadcast %get3A_43 : vector<1024x1xi32> to vector<1024x2xi32>
    %eq3A_46 = arith.cmpi eq, %eq3A_45, %iota3A_44 : vector<1024x2xi32>
    %convert_element_type3A_47 = arith.extui %eq3A_46 : vector<1024x2xi1> to vector<1024x2xi32>
    %convert_element_type3A_48 = arith.sitofp %convert_element_type3A_47 : vector<1024x2xi32> to vector<1024x2xf32>
    %get3A_49 = arith.constant 0 : index
    %get3A_50 = arith.constant 0 : index
    %get3A_51 = vector.load %arg19[%get3A_49, %get3A_50] : memref<2x512xf32, #tpu.memory_space<vmem>>, vector<2x512xf32>
    %dot_general3A_52 = arith.constant dense<0.000000e+00> : vector<1024x512xf32>
    %dot_general3A_53 = tpu.matmul %convert_element_type3A_48, %get3A_51, %dot_general3A_52 {dimension_numbers = #tpu.dot_dimension_numbers<[1], [0], [0], [1], [0, 0, 1, 1], [], []>, transpose_lhs_hint = false} : vector<1024x2xf32>, vector<2x512xf32>, vector<1024x512xf32> -> vector<1024x512xf32>
    %add3A_54 = arith.addf %add3A_40, %dot_general3A_53 : vector<1024x512xf32>
    %get3A_55 = arith.constant 0 : index
    %get3A_56 = arith.constant 0 : index
    %get3A_57 = vector.load %arg20[%get3A_55, %get3A_56] : memref<1x512xf32, #tpu.memory_space<vmem>>, vector<1x512xf32>
    %add3A_58 = vector.broadcast %get3A_57 : vector<1x512xf32> to vector<1024x512xf32>
    %add3A_59 = arith.addf %add3A_54, %add3A_58 : vector<1024x512xf32>
    %swap3A = arith.constant 0 : index
    %swap3A_60 = arith.constant 0 : index
    %swap3A_61 = vector.load %arg14[%swap3A, %swap3A_60] : memref<1024x512xf32, #tpu.memory_space<vmem>>, vector<1024x512xf32>
    tpu.vector_store %arg14[%swap3A, %swap3A_60], %add3A_59 {strides = array<i32>} : memref<1024x512xf32, #tpu.memory_space<vmem>>, vector<1024x512xf32>,
    return
  }
  func.func @transform_0(%arg0: i32) -> (i32, i32) {
    %c0_i32 = arith.constant 0 : i32
    %c0_i32_0 = arith.constant 0 : i32
    return %arg0, %c0_i32 : i32, i32
  }
  func.func @transform_1(%arg0: i32) -> (i32, i32) {
    %c0_i32 = arith.constant 0 : i32
    %c0_i32_0 = arith.constant 0 : i32
    return %arg0, %c0_i32 : i32, i32
  }
  func.func @transform_2(%arg0: i32) -> (i32, i32) {
    %c0_i32 = arith.constant 0 : i32
    %c0_i32_0 = arith.constant 0 : i32
    return %arg0, %c0_i32 : i32, i32
  }
  func.func @transform_3(%arg0: i32) -> (i32, i32) {
    %c0_i32 = arith.constant 0 : i32
    %c0_i32_0 = arith.constant 0 : i32
    return %arg0, %c0_i32 : i32, i32
  }
  func.func @transform_4(%arg0: i32) -> (i32, i32) {
    %c0_i32 = arith.constant 0 : i32
    %c0_i32_0 = arith.constant 0 : i32
    return %arg0, %c0_i32 : i32, i32
  }
  func.func @transform_5(%arg0: i32) -> (i32, i32) {
    %c0_i32 = arith.constant 0 : i32
    %c0_i32_0 = arith.constant 0 : i32
    %c0_i32_1 = arith.constant 0 : i32
    return %c0_i32, %c0_i32_0 : i32, i32
  }
  func.func @transform_6(%arg0: i32) -> (i32, i32) {
    %c0_i32 = arith.constant 0 : i32
    %c0_i32_0 = arith.constant 0 : i32
    %c0_i32_1 = arith.constant 0 : i32
    return %c0_i32, %c0_i32_0 : i32, i32
  }
  func.func @transform_7(%arg0: i32) -> (i32, i32) {
    %c0_i32 = arith.constant 0 : i32
    %c0_i32_0 = arith.constant 0 : i32
    %c0_i32_1 = arith.constant 0 : i32
    return %c0_i32, %c0_i32_0 : i32, i32
  }
  func.func @transform_8(%arg0: i32) -> (i32, i32) {
    %c0_i32 = arith.constant 0 : i32
    %c0_i32_0 = arith.constant 0 : i32
    %c0_i32_1 = arith.constant 0 : i32
    return %c0_i32, %c0_i32_0 : i32, i32
  }
  func.func @transform_9(%arg0: i32) -> (i32, i32) {
    %c0_i32 = arith.constant 0 : i32
    %c0_i32_0 = arith.constant 0 : i32
    %c0_i32_1 = arith.constant 0 : i32
    return %c0_i32, %c0_i32_0 : i32, i32
  }
  func.func @transform_10(%arg0: i32) -> (i32, i32) {
    %c0_i32 = arith.constant 0 : i32
    %c0_i32_0 = arith.constant 0 : i32
    %c0_i32_1 = arith.constant 0 : i32
    return %c0_i32, %c0_i32_0 : i32, i32
  }
  func.func @transform_11(%arg0: i32) -> (i32, i32) {
    %c0_i32 = arith.constant 0 : i32
    %c0_i32_0 = arith.constant 0 : i32
    %c0_i32_1 = arith.constant 0 : i32
    return %c0_i32, %c0_i32_0 : i32, i32
  }
  func.func @transform_12(%arg0: i32) -> (i32, i32) {
    %c0_i32 = arith.constant 0 : i32
    %c0_i32_0 = arith.constant 0 : i32
    %c0_i32_1 = arith.constant 0 : i32
    return %c0_i32, %c0_i32_0 : i32, i32
  }
  func.func @transform_13(%arg0: i32) -> (i32, i32) {
    %c0_i32 = arith.constant 0 : i32
    %c0_i32_0 = arith.constant 0 : i32
    return %arg0, %c0_i32 : i32, i32
  }
}

</mosaic_0001>

<sc_bundles>
// kernel: kernel.4.cloned.1.call-start
scs
__scs_entry_jumppad:
0x0: {  	(pc) =	sbr.rel $0x88, $3  }
0x1: {  	(tag) =	ssettag $0x0;
	lr =	simm.s32 $0x1  }
0x2: {  	[smem:$0x3F93] =	sst lr;
	_ =	strace $0xD0000000  }
0x3: {  	_ = 	snop  }
0x4: {  	_ = 	snop  }
0x5: {  	_ = 	snop  }
0x6: {  	_ = 	snop  }
0x7: {  	_ = 	snop  }
__scs_overlays_trampoline_lowered:
0x8: {  	[smem:$0x3FA2] =	sst s0  }
0x9: {  	[smem:$0x3FA3] =	sst s1  }
0xa: {  	[smem:$0x3FA4] =	sst s2  }
0xb: {  	[smem:$0x3FA5] =	sst s3  }
0xc: {  	[smem:$0x3FA6] =	sst s4  }
0xd: {  	[smem:$0x3FA7] =	sst s5  }
0xe: {  	[smem:$0x3FA8] =	sst s6  }
0xf: {  	[smem:$0x3FA9] =	sst s7  }
0x10: {  	[smem:$0x3FAA] =	sst s8  }
0x11: {  	[smem:$0x3FAB] =	sst s9;
	s0 =	simm.s32 @!p0 $0x0  }
0x12: {  	s1 =	sld [smem:$0x3F91];
	s0 =	simm.s32 @p0 $0x1  }
0x13: {  	[smem:$0x3FAC] =	sst s0;
	s0 =	simm.s32 @!p1 $0x0  }
0x14: {  	s2 =	sld [smem:$0x3F90];
	s0 =	simm.s32 @p1 $0x1  }
0x15: {  	[smem:$0x3FAD] =	sst s0;
	s0 =	simm.s32 @!p2 $0x0  }
0x16: {  	s3 =	sld [smem:$0x3FDB];
	s0 =	simm.s32 @p2 $0x1  }
0x17: {  	s4 =	simm.s32 $0x1BF5;
	[smem:$0x3FAF] =	sst s0  }
0x18: {  	s0 =	sld [smem:$0x3F92];
	_ =	swait.ge [sflag:s4], $0x0  }
0x19: {  	s7 =	sld [smem:$0x3F93]  }
0x1a: {  	s8 =	sadd.s32 $0xFFFFE003, lr  }
0x1b: {  	s9 =	sadd.s32 $0xFFFFFEF7, lr;
	s5 =	simm.s32 $0xFFFFFFFF;
	p2 =	slt.u32 s8, $0xFFFFF086  }
0x1c: {  	p1 =	slt.u32 s9, $0xF7A;
	s5 =	simm.s32 @!p2 $0x0  }
0x1d: {  	s5 =	simm.s32 @p1 $0x1;
	p0 =	seq.s32 s7, s2  }
0x1e: {  	s7 =	smul.u32 @!p0 $0xF7A, s2;
	p2 =	seq.s32 @!p0 s5, $0x0  }
0x1f: {  	s9 =	smul.u32 $0xF7A, s1;
	s8 =	simm.s32 @!p0 $0x1BF5;
	p2 =	por !p2, p0  }
0x20: {  	[sflag:s8] =	ssyncset.s32 @!p0 $0xFFFFF086;
	s6 =	sadd.s32 @!p0 s3, s7;
	s7 =	simm.s32 @!p0 $0x108  }
0x21: {  	s3 =	sadd.s32 s3, s9;
	s6 =	sadd.s32 @!p0 $0x88, s6;
	s7 =	simm.s32 @p2 $0x1082  }
0x22: {  	[simem:s7], [sflag:s8] =	dma.local @!p0 [hbm:s6], $0xF7A  }
0x23: {  	s9 =	sor.u32 $0xD0000000, s2;
	s6 =	simm.s32 $0x108;
	_ =	swait.ge @!p0 [sflag:s8], $0x0  }
0x24: {  	s3 =	sadd.s32 $0x88, s3;
	s6 =	simm.s32 @!p1 $0x1082;
	[sflag:s4] =	ssyncset.s32 $0xFFFFF086  }
0x25: {  	[simem:s6], [sflag:s4] =	dma.local [hbm:s3], $0xF7A  }
0x26: {  	[smem:$0x3F93] =	sst s1;
	(tag) =	ssettag s2;
	_ =	strace s9  }
0x27: {  	s1 =	sld [smem:$0x3FA3]  }
0x28: {  	s2 =	sld [smem:$0x3FA4]  }
0x29: {  	s4 =	sld [smem:$0x3FA6]  }
0x2a: {  	p0 =	seq.s32 s5, $0x0;
	s5 =	sld [smem:$0x3FA7]  }
0x2b: {  	s6 =	sld [smem:$0x3FA8]  }
0x2c: {  	s7 =	sld [smem:$0x3FA9]  }
0x2d: {  	s3 =	simm.s32 $0x108;
	s8 =	sld [smem:$0x3FAA]  }
0x2e: {  	s3 =	simm.s32 @!p0 $0x1082;
	s9 =	sld [smem:$0x3FAB]  }
0x2f: {  	lr =	sadd.s32 s0, s3;
	s0 =	sld [smem:$0x3FA2]  }
0x30: {  	s3 =	sld [smem:$0x3FA5]  }
0x31: {  	[smem:$0x3FAE] =	sst s10  }
0x32: {  	s10 =	sld [smem:$0x3FAC];
	_ =	sdelay $0x3  }
0x33: {  	p0 =	seq.s32 s10, $0x1;
	s10 =	sld [smem:$0x3FAE];
	_ =	sdelay $0x3  }
0x34: {  	[smem:$0x3FAE] =	sst s10  }
0x35: {  	s10 =	sld [smem:$0x3FAD];
	_ =	sdelay $0x3  }
0x36: {  	p1 =	seq.s32 s10, $0x1;
	s10 =	sld [smem:$0x3FAE];
	_ =	sdelay $0x3  }
0x37: {  	[smem:$0x3FAE] =	sst s10  }
0x38: {  	s10 =	sld [smem:$0x3FAF]  }
0x39: {  	_ = 	snop;
	(pc) =	sbr.ind lr, $3  }
0x3a: {  	_ = 	snop  }
0x3b: {  	_ = 	snop  }
0x3c: {  	p2 =	seq.s32 s10, $0x1;
	s10 =	sld [smem:$0x3FAE]  }
0x3d: {  	_ =	shalt  }
0x3e: {  	_ =	shalt  }
0x3f: {  	_ =	shalt  }
0x40: {  	_ =	shalt  }
0x41: {  	_ =	shalt  }
0x42: {  	_ =	shalt  }
0x43: {  	_ =	shalt  }
0x44: {  	_ =	shalt  }
0x45: {  	_ =	shalt  }
0x46: {  	_ =	shalt  }
0x47: {  	_ =	shalt  }
0x48: {  	_ =	shalt  }
0x49: {  	_ =	shalt  }
0x4a: {  	_ =	shalt  }
0x4b: {  	_ =	shalt  }
0x4c: {  	_ =	shalt  }
0x4d: {  	_ =	shalt  }
0x4e: {  	_ =	shalt  }
0x4f: {  	_ =	shalt  }
0x50: {  	_ =	shalt  }
0x51: {  	_ =	shalt  }
0x52: {  	_ =	shalt  }
0x53: {  	_ =	shalt  }
0x54: {  	_ =	shalt  }
0x55: {  	_ =	shalt  }
0x56: {  	_ =	shalt  }
0x57: {  	_ =	shalt  }
0x58: {  	_ =	shalt  }
0x59: {  	_ =	shalt  }
0x5a: {  	_ =	shalt  }
0x5b: {  	_ =	shalt  }
0x5c: {  	_ =	shalt  }
0x5d: {  	_ =	shalt  }
0x5e: {  	_ =	shalt  }
0x5f: {  	_ =	shalt  }
0x60: {  	_ =	shalt  }
0x61: {  	_ =	shalt  }
0x62: {  	_ =	shalt  }
0x63: {  	_ =	shalt  }
0x64: {  	_ =	shalt  }
0x65: {  	_ =	shalt  }
0x66: {  	_ =	shalt  }
0x67: {  	_ =	shalt  }
0x68: {  	_ =	shalt  }
0x69: {  	_ =	shalt  }
0x6a: {  	_ =	shalt  }
0x6b: {  	_ =	shalt  }
0x6c: {  	_ =	shalt  }
0x6d: {  	_ =	shalt  }
0x6e: {  	_ =	shalt  }
0x6f: {  	_ =	shalt  }
0x70: {  	_ =	shalt  }
0x71: {  	_ =	shalt  }
0x72: {  	_ =	shalt  }
0x73: {  	_ =	shalt  }
0x74: {  	_ =	shalt  }
0x75: {  	_ =	shalt  }
0x76: {  	_ =	shalt  }
0x77: {  	_ =	shalt  }
0x78: {  	_ =	shalt  }
0x79: {  	_ =	shalt  }
0x7a: {  	_ =	shalt  }
0x7b: {  	_ =	shalt  }
0x7c: {  	_ =	shalt  }
0x7d: {  	_ =	shalt  }
0x7e: {  	_ =	shalt  }
0x7f: {  	_ =	shalt  }
0x80: {  	_ =	shalt  }
0x81: {  	_ =	shalt  }
0x82: {  	_ =	shalt  }
0x83: {  	_ =	shalt  }
0x84: {  	_ =	shalt  }
0x85: {  	_ =	shalt  }
0x86: {  	_ =	shalt  }
0x87: {  	_ =	shalt  }
.Lfunc_end0:
.L_simem_size_0:
called_computation_lowered:
.L_overlay_start_0:
0x88: {  	s2 =	sld [smem:$0x3FD9]  }
0x89: {  	s3 =	sld [smem:$0x3FFE];
	_ =	sdelay $0x1  }
0x8a: {  	s1 =	srdreg.scid  }
0x8b: {  	s0 =	sand.u32 $0x1, s1  }
0x8c: {  	s18 =	sshll.u32 s0, $0xA;
	s2 =	sadd.s32 s3, s2  }
0x8d: {  	s2 =	sadd.s32 s2, s18  }
0x8e: {  	[smem:$0x3FBA] =	sst s2  }
0x8f: {  	_ = 	snop  }
0x90: {  	s2 =	sld [smem:$0x3FC7]  }
0x91: {  	s19 =	sld [smem:$0x3FC0]  }
0x92: {  	s4 =	sld [smem:$0x3FD0];
	(tm) =	ssettm $0x1  }
0x93: {  	s5 =	sld [smem:$0x3FFB];
	_ =	sdelay $0x3  }
0x94: {  	_ =	strace s5  }
0x95: {  	s5 =	sld [smem:$0x3FFC];
	_ =	sdelay $0x3  }
0x96: {  	_ =	strace s5  }
0x97: {  	s5 =	sld [smem:$0x3FFD];
	_ =	sdelay $0x3  }
0x98: {  	_ =	strace s5  }
0x99: {  	_ =	strace $0x8FFFFFFF  }
0x9a: {  	s20 =	sld [smem:$0x3FDB];
	_ =	sdelay $0x1  }
0x9b: {  	s6 =	simm.s32 $_scs_section_size  }
0x9c: {  	s7 =	simm.s32 $_size__tile_overlayer_lowered;
	s8 =	simm.s32 $_tile_overlayer_lowered  }
0x9d: {  	s23 =	simm.s32 $0x1BFF;
	s22 =	sshll.u32 s8, $0x1;
	s5 =	sadd.s32 s6, s20  }
0x9e: {  	s9 =	simm.s32 $0x0;
	s21 =	sshll.u32 s7, $0x1;
	s7 =	sadd.s32 s22, s5  }
0x9f: {  	[timem:s9], [sflag:s23] =	dma.local [hbm:s7], s21  }
0xa0: {  	_ =	swait.ge [sflag:s23], s21  }
0xa1: {  	s6 =	ssub.s32 $0x0, s21;
	[sflag:s23] =	ssyncset.done $0x0  }
0xa2: {  	[sflag:s23] =	ssyncadd.s32 s6;
	_ =	sdelay $0x1  }
0xa3: {  	s24 =	simm.s32 $0x1B8B  }
0xa4: {  	_ =	swait.ge [sflag:s24], $0x1  }
0xa5: {  	[sflag:s24] =	ssyncset.done $0x0  }
0xa6: {  	s25 =	simm.s32 $0x1B8E;
	[sflag:s24] =	ssyncadd.s32 $0xFFFFFFFF  }
0xa7: {  	s26 =	simm.s32 $execute0_lowered;
	[smem:$0x3FD2] =	sst s25  }
0xa8: {  	s6 =	sshll.u32 s26, $0x1;
	_ =	strace $0x80000046;
	[dreg:$0x1] =	wrdreg $0xFFFFFFFF  }
0xa9: {  	s28 =	simm.s32 $_size_execute0_lowered;
	s5 =	sadd.s32 s5, s6;
	[dreg:$0x0] =	wrdreg $0x0  }
0xaa: {  	s6 =	sshll.u32 s28, $0x1;
	[dreg:$0x2] =	wrdreg s5  }
0xab: {  	[dreg:$0x3] =	wrdreg s6  }
0xac: {  	[dreg:$0x4] =	wrdreg $0xC0  }
0xad: {  	_ =	task [dreg:s9], $0x5FFFF  }
0xae: {  	[dreg:$0x1] =	wrdreg $0xFFFFFFFF  }
0xaf: {  	[dreg:$0x0] =	wrdreg $0x60  }
0xb0: {  	[dreg:$0x2] =	wrdreg s19  }
0xb1: {  	[dreg:$0x3] =	wrdreg s2  }
0xb2: {  	[dreg:$0x4] =	wrdreg s4  }
0xb3: {  	[dreg:$0x5] =	wrdreg $0x9  }
0xb4: {  	_ =	task.clear_ibuf [dreg:s9], $0x6FFFF;
	_ =	strace $0x90000046  }
0xb5: {  	s29 =	simm.s32 $0x9;
	_ =	strace $0x80000048  }
0xb6: {  	_ =	swait.ge [sflag:s29], $0x1  }
0xb7: {  	[sflag:s29] =	ssyncadd.s32 $0xFFFFFFFF  }
0xb8: {  	_ =	strace $0x90000048  }
0xb9: {  	_ =	sfence  }
0xba: {  	s30 =	sld [smem:$0x0];
	_ =	sdelay $0x2  }
0xbb: {  	s31 =	sshll.u32 s1, $0xD;
	s1 =	sshrl.u32 s1, $0x2  }
0xbc: {  	s3 =	sand.u32 $0x4000, s31;
	s1 =	sadd.s32 s1, s30  }
0xbd: {  	s0 =	sor.u32 s3, s0;
	s1 =	sshll.u32 s1, $0x11  }
0xbe: {  	s0 =	sor.u32 s1, s0  }
0xbf: {  	s0 =	sadd.s32 $0x8F2B, s0  }
0xc0: {  	[sflag:s0] =	ssyncadd.remote.s32 $0x1  }
0xc1: {  	_ =	sfence.sel $0xFFFF  }
0xc2: {  	[dreg:$0x0] =	wrdreg $0xFFFFFFFF;
	(pc) =	sbr.abs _section_cstart, $3  }
0xc3: {  	[dreg:$0x1] =	wrdreg $0xFFFFFFFF  }
0xc4: {  	_ =	task.clear_ibuf [dreg:s9], $0x2FFFF;
	_ =	strace $0x9FFFFFFF  }
0xc5: {  	(tm) =	ssettm $0x7FFFFFFF  }
tec
execute0_lowered:
.L_overlay_start_1:
0x0: {  	(tag) =	ssettag $0x1  }
0x1: {  	s1 =	rddreg [dreg:$0x0]  }
0x2: {  	s4 =	rddreg [dreg:$0x1]  }
0x3: {  	s5 =	rddreg [dreg:$0x2]  }
0x4: {  	s0 =	rddreg [dreg:$0x3];
	s3 =	simm.s32 $0x0;
	s6 =	srdreg.scid  }
0x5: {  	s2 =	stileid.u32;
	s10 =	simm.s32 $0x1080;
	s11 =	simm.s32 $0x1880  }
0x6: {  	s12 =	simm.s32 $0x2080;
	s13 =	simm.s32 $0x2880;
	s14 =	simm.s32 $0x3080  }
0x7: {  	s15 =	simm.s32 $0x3880;
	s16 =	simm.s32 $0x4080;
	s17 =	simm.s32 $0x4880  }
0x8: {  	s18 =	simm.s32 $0x5080;
	s19 =	simm.s32 $0x5880;
	s20 =	simm.s32 $0x6080  }
0x9: {  	s21 =	simm.s32 $0x6880;
	s22 =	simm.s32 $0x7080;
	s23 =	simm.s32 $0x7880  }
0xa: {  	s24 =	simm.s32 $0x1;
	[smem:$0x7FF] =	sst s3;
	s6 =	sand.u32 $0x1, s6  }
0xb: {  	s8 =	sshll.u32 s2, $0x8;
	s7 =	ssub.s32 $0x2, s6;
	s6 =	sshll.u32 s6, $0x7  }
0xc: {  	_ =	strace $0x80000047;
	s9 =	sshrl.u32 s7, $0x1;
	s6 =	sor.u32 s6, s8  }
0xd: {  	v2 =	vlaneseq.u32;
	s7 =	ssub.s32 s7, s9;
	s8 =	sshrl.u32 s6, $0x3;
	s6 =	sshll.u32 s6, $0x5  }
0xe: {  	vm0 =	vmmov $0xffff;
	v1 =	vshrl.u32 v2, $0x3;
	s9 =	simm.s32 $0x880;
	s4 =	sadd.s32 s4, s8;
	s5 =	sadd.s32 s5, s6  }
0xf: {  	v0 =	vand.u32 $0x7, v2;
	v2 =	vor.u32 $0x8, v2;
	v1 =	vmul.u32 $0x8, v1;
	s6 =	smax.u32 s7, $0x1;
	s7 =	simm.s32 $0x2;
	s8 =	simm.s32 $0x80  }
.LBB2_1:
0x10: {  	[tilespmem:s3], [sflag:$0x2] =	stream.linear.gather [hbm4b:s4+s3], $0x80, $0x38;
	[tilespmem:$0x8080] =	vst v63  }
0x11: {  	_ =	swait.ge [sflag:s7], $0x80  }
0x12: {  	[sflag:s7] =	ssyncset.done $0x0  }
0x13: {  	[sflag:s7] =	ssyncadd.s32 $0xFFFFFF80  }
0x14: {  	v3 =	vld [tilespmem:$0x0];
	_ =	sdelay $0x4  }
0x15: {  	v4 =	vshll.u32 v3, $0x1  }
0x16: {  	v3 =	vand.u32 $0x7, v3;
	v4 =	vand.u32 $0xFFFFFFF0, v4  }
0x17: {  	v3 =	vor.u32 v3, v4  }
0x18: {  	v4 =	vperm.xlane v3, v0;
	_ =	sdelay $0x1  }
0x19: {  	v3 =	vperm.xlane v3, v2;
	v4 =	vadd.s32 v1, v4;
	_ =	sdelay $0x1  }
0x1a: {  	v3 =	vadd.s32 v1, v3;
	_ =	sdelay $0x2  }
0x1b: {  	[tilespmem:s8], [sflag:$0x1] =	stream.indirect_vreg.gather [hbm4b:s1+s3], $0x80, v4, vm0, $0xb8;
	[tilespmem:$0x8080] =	vst v63  }
0x1c: {  	_ = 	snop  }
0x1d: {  	[tilespmem:s9], [sflag:$0x1] =	stream.indirect_vreg.gather [hbm4b:s1+s3], $0x80, v3, vm0, $0xb8;
	[tilespmem:$0x8080] =	vst v63  }
0x1e: {  	v3 =	vld [tilespmem:$0x10];
	_ =	sdelay $0x4  }
0x1f: {  	v57 =	vshll.u32 v3, $0x1  }
0x20: {  	v3 =	vand.u32 $0x7, v3;
	v4 =	vand.u32 $0xFFFFFFF0, v57  }
0x21: {  	v3 =	vor.u32 v3, v4  }
0x22: {  	v4 =	vperm.xlane v3, v0;
	_ =	sdelay $0x1  }
0x23: {  	v3 =	vperm.xlane v3, v2;
	v4 =	vadd.s32 v1, v4;
	_ =	sdelay $0x1  }
0x24: {  	v3 =	vadd.s32 v1, v3;
	_ =	sdelay $0x2  }
0x25: {  	[tilespmem:s10], [sflag:$0x1] =	stream.indirect_vreg.gather [hbm4b:s1+s3], $0x80, v4, vm0, $0xb8;
	[tilespmem:$0x8080] =	vst v63  }
0x26: {  	_ = 	snop  }
0x27: {  	[tilespmem:s11], [sflag:$0x1] =	stream.indirect_vreg.gather [hbm4b:s1+s3], $0x80, v3, vm0, $0xb8;
	[tilespmem:$0x8080] =	vst v63  }
0x28: {  	v3 =	vld [tilespmem:$0x20];
	_ =	sdelay $0x4  }
0x29: {  	v58 =	vshll.u32 v3, $0x1  }
0x2a: {  	v3 =	vand.u32 $0x7, v3;
	v4 =	vand.u32 $0xFFFFFFF0, v58  }
0x2b: {  	v3 =	vor.u32 v3, v4  }
0x2c: {  	v4 =	vperm.xlane v3, v0;
	_ =	sdelay $0x1  }
0x2d: {  	v3 =	vperm.xlane v3, v2;
	v4 =	vadd.s32 v1, v4;
	_ =	sdelay $0x1  }
0x2e: {  	v3 =	vadd.s32 v1, v3;
	_ =	sdelay $0x2  }
0x2f: {  	[tilespmem:s12], [sflag:$0x1] =	stream.indirect_vreg.gather [hbm4b:s1+s3], $0x80, v4, vm0, $0xb8;
	[tilespmem:$0x8080] =	vst v63  }
0x30: {  	_ = 	snop  }
0x31: {  	[tilespmem:s13], [sflag:$0x1] =	stream.indirect_vreg.gather [hbm4b:s1+s3], $0x80, v3, vm0, $0xb8;
	[tilespmem:$0x8080] =	vst v63  }
0x32: {  	v3 =	vld [tilespmem:$0x30];
	_ =	sdelay $0x4  }
0x33: {  	v59 =	vshll.u32 v3, $0x1  }
0x34: {  	v3 =	vand.u32 $0x7, v3;
	v4 =	vand.u32 $0xFFFFFFF0, v59  }
0x35: {  	v3 =	vor.u32 v3, v4  }
0x36: {  	v4 =	vperm.xlane v3, v0;
	_ =	sdelay $0x1  }
0x37: {  	v3 =	vperm.xlane v3, v2;
	v4 =	vadd.s32 v1, v4;
	_ =	sdelay $0x1  }
0x38: {  	v3 =	vadd.s32 v1, v3;
	_ =	sdelay $0x2  }
0x39: {  	[tilespmem:s14], [sflag:$0x1] =	stream.indirect_vreg.gather [hbm4b:s1+s3], $0x80, v4, vm0, $0xb8;
	[tilespmem:$0x8080] =	vst v63  }
0x3a: {  	_ = 	snop  }
0x3b: {  	[tilespmem:s15], [sflag:$0x1] =	stream.indirect_vreg.gather [hbm4b:s1+s3], $0x80, v3, vm0, $0xb8;
	[tilespmem:$0x8080] =	vst v63  }
0x3c: {  	v3 =	vld [tilespmem:$0x40];
	_ =	sdelay $0x4  }
0x3d: {  	v60 =	vshll.u32 v3, $0x1  }
0x3e: {  	v3 =	vand.u32 $0x7, v3;
	v4 =	vand.u32 $0xFFFFFFF0, v60  }
0x3f: {  	v3 =	vor.u32 v3, v4  }
0x40: {  	v4 =	vperm.xlane v3, v0;
	_ =	sdelay $0x1  }
0x41: {  	v3 =	vperm.xlane v3, v2;
	v4 =	vadd.s32 v1, v4;
	_ =	sdelay $0x1  }
0x42: {  	v3 =	vadd.s32 v1, v3;
	_ =	sdelay $0x2  }
0x43: {  	[tilespmem:s16], [sflag:$0x1] =	stream.indirect_vreg.gather [hbm4b:s1+s3], $0x80, v4, vm0, $0xb8;
	[tilespmem:$0x8080] =	vst v63  }
0x44: {  	_ = 	snop  }
0x45: {  	[tilespmem:s17], [sflag:$0x1] =	stream.indirect_vreg.gather [hbm4b:s1+s3], $0x80, v3, vm0, $0xb8;
	[tilespmem:$0x8080] =	vst v63  }
0x46: {  	v3 =	vld [tilespmem:$0x50];
	_ =	sdelay $0x4  }
0x47: {  	v61 =	vshll.u32 v3, $0x1  }
0x48: {  	v3 =	vand.u32 $0x7, v3;
	v4 =	vand.u32 $0xFFFFFFF0, v61  }
0x49: {  	v3 =	vor.u32 v3, v4  }
0x4a: {  	v4 =	vperm.xlane v3, v0;
	_ =	sdelay $0x1  }
0x4b: {  	v3 =	vperm.xlane v3, v2;
	v4 =	vadd.s32 v1, v4;
	_ =	sdelay $0x1  }
0x4c: {  	v3 =	vadd.s32 v1, v3;
	_ =	sdelay $0x2  }
0x4d: {  	[tilespmem:s18], [sflag:$0x1] =	stream.indirect_vreg.gather [hbm4b:s1+s3], $0x80, v4, vm0, $0xb8;
	[tilespmem:$0x8080] =	vst v63  }
0x4e: {  	_ = 	snop  }
0x4f: {  	[tilespmem:s19], [sflag:$0x1] =	stream.indirect_vreg.gather [hbm4b:s1+s3], $0x80, v3, vm0, $0xb8;
	[tilespmem:$0x8080] =	vst v63  }
0x50: {  	v3 =	vld [tilespmem:$0x60];
	_ =	sdelay $0x4  }
0x51: {  	v62 =	vshll.u32 v3, $0x1  }
0x52: {  	v3 =	vand.u32 $0x7, v3;
	v4 =	vand.u32 $0xFFFFFFF0, v62  }
0x53: {  	v3 =	vor.u32 v3, v4  }
0x54: {  	v4 =	vperm.xlane v3, v0;
	_ =	sdelay $0x1  }
0x55: {  	v3 =	vperm.xlane v3, v2;
	v4 =	vadd.s32 v1, v4;
	_ =	sdelay $0x1  }
0x56: {  	v3 =	vadd.s32 v1, v3;
	_ =	sdelay $0x2  }
0x57: {  	[tilespmem:s20], [sflag:$0x1] =	stream.indirect_vreg.gather [hbm4b:s1+s3], $0x80, v4, vm0, $0xb8;
	[tilespmem:$0x8080] =	vst v63  }
0x58: {  	_ = 	snop  }
0x59: {  	[tilespmem:s21], [sflag:$0x1] =	stream.indirect_vreg.gather [hbm4b:s1+s3], $0x80, v3, vm0, $0xb8;
	[tilespmem:$0x8080] =	vst v63  }
0x5a: {  	v3 =	vld [tilespmem:$0x70];
	_ =	sdelay $0x4  }
0x5b: {  	v63 =	vshll.u32 v3, $0x1  }
0x5c: {  	v3 =	vand.u32 $0x7, v3;
	v4 =	vand.u32 $0xFFFFFFF0, v63  }
0x5d: {  	v3 =	vor.u32 v3, v4  }
0x5e: {  	v4 =	vperm.xlane v3, v0;
	_ =	sdelay $0x1  }
0x5f: {  	v3 =	vperm.xlane v3, v2;
	v4 =	vadd.s32 v1, v4;
	_ =	sdelay $0x1  }
0x60: {  	v3 =	vadd.s32 v1, v3;
	_ =	sdelay $0x2  }
0x61: {  	[tilespmem:s22], [sflag:$0x1] =	stream.indirect_vreg.gather [hbm4b:s1+s3], $0x80, v4, vm0, $0xb8;
	[tilespmem:$0x8080] =	vst v63  }
0x62: {  	_ = 	snop  }
0x63: {  	[tilespmem:s23], [sflag:$0x1] =	stream.indirect_vreg.gather [hbm4b:s1+s3], $0x80, v3, vm0, $0xb8;
	[tilespmem:$0x8080] =	vst v63  }
0x64: {  	_ =	swait.ge [sflag:s24], $0x8000  }
0x65: {  	p0 =	sne.s32 s6, $0x1;
	[sflag:s24] =	ssyncset.done $0x0  }
.Ltmp0:
0x66: {  	[sflag:s24] =	ssyncadd.s32 $0xFFFF8000;
	(pc) =	sbr.rel @p0 .LBB2_1-.Ltmp0, $4  }
0x67: {  	[hbm4b:s5+s3] =	stream.linear.scatter [tilespmem:s8], [sflag:$0x2], $0x8000, $0x38;
	[tilespmem:$0x8080] =	vst v63  }
0x68: {  	_ =	swait.ge [sflag:s7], $0x8000  }
0x69: {  	[sflag:s7] =	ssyncset.done $0x0  }
0x6a: {  	s6 =	sadd.s32 $0xFFFFFFFF, s6;
	[sflag:s7] =	ssyncadd.s32 $0xFFFF8000  }
0x6b: {  	_ =	sfence.sel $0x180000  }
0x6c: {  	[bflag:$0x0] =	sbarrier.arrive $0xFFFF  }
0x6d: {  	p0 =	sne.s32 s2, $0x0;
	_ =	strace $0x90000047  }
0x6e: {  	s0 =	sadd.s32 @!p0 $0x100000, s0;
	[bflag:$0x2] =	sbarrier.arrive $0xFFFF  }
0x6f: {  	[sflag:s0] =	ssyncadd.tile.s32 @!p0 $0x1;
	_ =	shalt  }
.Lfunc_end2:
_tile_overlayer_lowered:
.L_overlay_start_2:
0x70: {  	(tag) =	ssettag $0x2  }
0x71: {  	s0 =	rddreg [dreg:$0x0];
	s2 =	stileid.u32  }
0x72: {  	s1 =	rddreg [dreg:$0x1];
	p0 =	sne.s32 s2, $0x0  }
0x73: {  	s3 =	rddreg [dreg:$0x2];
	[bflag:$0x3] =	sbarrier.arrive $0xFFFF;
	s2 =	simm.s32 @!p0 $0x1C02  }
0x74: {  	[timem:s3], [sflag:s2] =	dma.local @!p0 [hbm:s0], s1  }
0x75: {  	s0 =	simm.s32 @!p0 $0x2  }
0x76: {  	_ =	swait.ge @!p0 [sflag:s0], s1  }
0x77: {  	s1 =	ssub.s32 @!p0 $0x0, s1;
	[sflag:s0] =	ssyncset.done @!p0 $0x0  }
0x78: {  	[sflag:s0] =	ssyncadd.s32 @!p0 s1  }
0x79: {  	[bflag:$0x3] =	sbarrier.arrive $0xFFFF  }
0x7a: {  	_ =	shalt  }

</sc_bundles>
